<compile_context>
chip_gen: v7x
topology: tpu7x:2x2x1
jax: 0.10.2.dev20260603
libtpu: 0.0.44.dev20260713+nightly
codegen_flags: <defaults>
</compile_context>

<pallas_src>
import jax
import jax.numpy as jnp
from jax import lax
from jax.experimental import pallas as pl
from jax.experimental.pallas import tpu as pltpu
from jax.experimental.pallas import tpu_sc as plsc

_N = 10000
_LANES = 16
_CHUNKS = _N // _LANES


def _reach_body(left_hbm, right_hbm, out_hbm, left_v, right_v, reach_v):
    c = lax.axis_index("c")
    s = lax.axis_index("s")

    @pl.when((c == 0) & (s == 0))
    def _():
        pltpu.sync_copy(left_hbm, left_v)
        pltpu.sync_copy(right_hbm, right_v)

        zeros = jnp.zeros((_LANES,), jnp.int32)
        ones = jnp.ones((_LANES,), jnp.int32)

        def init_chunk(i, carry):
            reach_v[pl.ds(i * _LANES, _LANES)] = zeros
            return carry

        lax.fori_loop(0, _CHUNKS, init_chunk, 0)
        lane = lax.iota(jnp.int32, _LANES)
        reach_v[pl.ds(0, _LANES)] = jnp.where(lane == zeros, ones, zeros)

        def sweep_chunk(i, carry):
            r = reach_v[pl.ds(i * _LANES, _LANES)]
            m = r != zeros
            l = left_v[pl.ds(i * _LANES, _LANES)]
            rr = right_v[pl.ds(i * _LANES, _LANES)]
            plsc.store_scatter(reach_v, [l], ones, mask=m & (l >= zeros))
            plsc.store_scatter(reach_v, [rr], ones, mask=m & (rr >= zeros))
            return carry

        def count_chunk(i, acc):
            return acc + reach_v[pl.ds(i * _LANES, _LANES)]

        def cond(st):
            return st[0] != st[1]

        def wbody(st):
            _, cur = st
            lax.fori_loop(0, _CHUNKS, sweep_chunk, 0)
            acc = lax.fori_loop(0, _CHUNKS, count_chunk, zeros)
            return (cur, jnp.sum(acc))

        lax.while_loop(cond, wbody, (jnp.int32(-1), jnp.int32(1)))
        pltpu.sync_copy(reach_v, out_hbm)


@jax.jit
def _reach(left, right):
    mesh = plsc.VectorSubcoreMesh(core_axis_name="c", subcore_axis_name="s")
    return pl.kernel(
        _reach_body,
        out_type=jax.ShapeDtypeStruct((_N,), jnp.int32),
        mesh=mesh,
        compiler_params=pltpu.CompilerParams(needs_layout_passes=False),
        scratch_types=[
            pltpu.VMEM((_N,), jnp.int32),
            pltpu.VMEM((_N,), jnp.int32),
            pltpu.VMEM((_N,), jnp.int32),
        ],
    )(left, right)


def kernel(thresholds, rules_left, rules_right, binary_ops, left, right,
           leaf_is_reroll, leaf_mask_left, leaf_mask_right, leaf_mask_op,
           leaf_score_cat):
    out = _reach(left.astype(jnp.int32), right.astype(jnp.int32))
    return out != 0

# --- scband reference (transcript-rebuilt; emitter-appended) ---
"""Pipeline reference for scband-daggenome-63737314673345 (READ-ONLY COPY).

The authoritative reference and input builder live on the scoring server;
editing this copy changes nothing except your own understanding.
"""

import jax, jax.numpy as jnp
import numpy as np

N = 10000
L = 10000


def setup_inputs(seed: int = 0) -> dict:
    key = jax.random.key(seed)
    ks = jax.random.split(key, 11)
    thresholds = jax.random.normal(ks[0], (N,), dtype=jnp.float32)
    rules_left = jax.random.randint(ks[1], (N,), 0, N, dtype=jnp.int64) if jax.config.jax_enable_x64 else jax.random.randint(ks[1], (N,), 0, N).astype(jnp.int32)
    rules_right = jax.random.randint(ks[2], (N,), 0, N).astype(rules_left.dtype)
    binary_ops = jax.random.randint(ks[3], (N,), 0, 4).astype(rules_left.dtype)
    left = jax.random.randint(ks[4], (N,), 0, N).astype(rules_left.dtype)
    right = jax.random.randint(ks[5], (N,), 0, N).astype(rules_left.dtype)
    leaf_is_reroll = jax.random.randint(ks[6], (L,), 0, 2).astype(jnp.bool_)
    leaf_mask_left = jax.random.randint(ks[7], (L,), 0, N).astype(rules_left.dtype)
    leaf_mask_right = jax.random.randint(ks[8], (L,), 0, N).astype(rules_left.dtype)
    leaf_mask_op = jax.random.randint(ks[9], (L,), 0, 16).astype(rules_left.dtype)
    leaf_score_cat = jax.random.randint(ks[10], (L,), 0, 8).astype(rules_left.dtype)
    return {
        "thresholds": thresholds,
        "rules_left": rules_left,
        "rules_right": rules_right,
        "binary_ops": binary_ops,
        "left": left,
        "right": right,
        "leaf_is_reroll": leaf_is_reroll,
        "leaf_mask_left": leaf_mask_left,
        "leaf_mask_right": leaf_mask_right,
        "leaf_mask_op": leaf_mask_op,
        "leaf_score_cat": leaf_score_cat,
    }


def reference(thresholds, rules_left, rules_right, binary_ops, left, right,
              leaf_is_reroll, leaf_mask_left, leaf_mask_right, leaf_mask_op,
              leaf_score_cat):
    # Faithful translation of DAGGenome.get_active_mask (the module's only
    # executable computation): iterative reachability from node 0 over the
    # left/right child pointers, run for n_nodes scan steps.
    n_nodes = rules_left.shape[0]

    def step(reachable, _):
        active_left = jnp.where(reachable & (left >= 0), left, n_nodes)
        active_right = jnp.where(reachable & (right >= 0), right, n_nodes)
        new_reachable = jnp.zeros(n_nodes + 1, dtype=jnp.bool_)
        new_reachable = new_reachable.at[active_left].set(True)
        new_reachable = new_reachable.at[active_right].set(True)
        new_reachable = new_reachable.at[0].set(True)
        return (new_reachable[:n_nodes] | reachable, None)

    init = jnp.zeros(n_nodes, dtype=jnp.bool_).at[0].set(True)
    mask, _ = jax.lax.scan(step, init, None, length=n_nodes)
    return mask

if __name__ == "__main__":
    import jax
    _d = setup_inputs()
    print(jax.jit(kernel)(*tuple(_d.values())))

</pallas_src>

<mosaic_0001>
#map = affine_map<(d0, d1) -> (0)>
module attributes {stable_mosaic.version = 14 : i64} {
  func.func @_reach_body(%arg0: i32, %arg1: i32, %arg2: memref<10000xi32, #tpu.memory_space<hbm>>, %arg3: memref<10000xi32, #tpu.memory_space<hbm>>, %arg4: memref<10000xi32, #tpu.memory_space<hbm>>, %arg5: memref<10000xi32, #tpu.memory_space<vmem>>, %arg6: memref<10000xi32, #tpu.memory_space<vmem>>, %arg7: memref<10000xi32, #tpu.memory_space<vmem>>) attributes {dimension_semantics = [#tpu.dimension_semantics<core_parallel>, #tpu.dimension_semantics<subcore_parallel>], iteration_bounds = array<i64: 2, 16>, scalar_prefetch = 0 : i64, scratch_operands = 3 : i64, tpu.core_type = #tpu.core_type<sc_vector_subcore>, window_params = [{transform_indices = #map}, {transform_indices = #map}, {transform_indices = #map}]} {
    %eq3A = arith.constant 0 : i32
    %eq3A_0 = arith.cmpi eq, %arg0, %eq3A : i32
    %eq3A_1 = arith.constant 0 : i32
    %eq3A_2 = arith.cmpi eq, %arg1, %eq3A_1 : i32
    %and3A = arith.andi %eq3A_0, %eq3A_2 : i1
    %convert_element_type3A = arith.extui %and3A : i1 to i32
    %cond3A = arith.constant 0 : i32
    %cond3A_3 = arith.cmpi ne, %convert_element_type3A, %cond3A : i32
    scf.if %cond3A_3 {
      "tpu.region"() ({
        %run_scoped3A = tpu.sem_alloc : memref<!tpu.dma_semaphore, #tpu.memory_space<semaphore_mem>>
        tpu.enqueue_dma source(%arg2 : memref<10000xi32, #tpu.memory_space<hbm>>) target(%arg5 : memref<10000xi32, #tpu.memory_space<vmem>>) target_semaphore(%run_scoped3A : memref<!tpu.dma_semaphore, #tpu.memory_space<semaphore_mem>>)
        tpu.wait_dma2 semaphore(%run_scoped3A : memref<!tpu.dma_semaphore, #tpu.memory_space<semaphore_mem>>) src(%arg2 : memref<10000xi32, #tpu.memory_space<hbm>>) dst(%arg5 : memref<10000xi32, #tpu.memory_space<vmem>>)
        tpu.yield
      }) : () -> ()
      "tpu.region"() ({
        %run_scoped3A = tpu.sem_alloc : memref<!tpu.dma_semaphore, #tpu.memory_space<semaphore_mem>>
        tpu.enqueue_dma source(%arg3 : memref<10000xi32, #tpu.memory_space<hbm>>) target(%arg6 : memref<10000xi32, #tpu.memory_space<vmem>>) target_semaphore(%run_scoped3A : memref<!tpu.dma_semaphore, #tpu.memory_space<semaphore_mem>>)
        tpu.wait_dma2 semaphore(%run_scoped3A : memref<!tpu.dma_semaphore, #tpu.memory_space<semaphore_mem>>) src(%arg3 : memref<10000xi32, #tpu.memory_space<hbm>>) dst(%arg6 : memref<10000xi32, #tpu.memory_space<vmem>>)
        tpu.yield
      }) : () -> ()
      %broadcast_in_dim3A = arith.constant 0 : i32
      %broadcast_in_dim3A_4 = vector.broadcast %broadcast_in_dim3A : i32 to vector<16xi32>
      %broadcast_in_dim3A_5 = arith.constant 1 : i32
      %broadcast_in_dim3A_6 = vector.broadcast %broadcast_in_dim3A_5 : i32 to vector<16xi32>
      %scan3A = arith.constant 0 : i32
      %scan3A_7 = arith.constant 0 : i32
      %scan3A_8 = arith.constant 625 : i32
      %scan3A_9 = arith.addi %scan3A_7, %scan3A_8 : i32
      %scan3A_10 = arith.constant 1 : i32
      scf.for %scan3A_16 = %scan3A_7 to %scan3A_9 step %scan3A_10  : i32 {
        %mul3A = arith.constant 16 : i32
        %mul3A_17 = arith.muli %scan3A_16, %mul3A : i32
        %swap3A_18 = arith.index_cast %mul3A_17 : i32 to index
        %swap3A_19 = tpu.vector_load %arg7[%swap3A_18] {strides = array<i32>} : memref<10000xi32, #tpu.memory_space<vmem>>, vector<16xi32>,
        tpu.vector_store %arg7[%swap3A_18], %broadcast_in_dim3A_4 {strides = array<i32>} : memref<10000xi32, #tpu.memory_space<vmem>>, vector<16xi32>,
      }
      %scan3A_11 = arith.constant 625 : i32
      %iota3A = tpu.iota {dimensions = array<i32: 0>} : vector<16xi32>
      %eq3A_12 = arith.cmpi eq, %iota3A, %broadcast_in_dim3A_4 : vector<16xi32>
      %select_n3A = arith.select %eq3A_12, %broadcast_in_dim3A_6, %broadcast_in_dim3A_4 : vector<16xi1>, vector<16xi32>
      %swap3A = arith.constant 0 : index
      %swap3A_13 = tpu.vector_load %arg7[%swap3A] {strides = array<i32>} : memref<10000xi32, #tpu.memory_space<vmem>>, vector<16xi32>,
      tpu.vector_store %arg7[%swap3A], %select_n3A {strides = array<i32>} : memref<10000xi32, #tpu.memory_space<vmem>>, vector<16xi32>,
      %while3A = arith.constant -1 : i32
      %while3A_14 = arith.constant 1 : i32
      %while3A_15:2 = scf.while (%while3A_16 = %while3A, %while3A_17 = %while3A_14) : (i32, i32) -> (i32, i32) {
        %ne3A = arith.cmpi ne, %while3A_16, %while3A_17 : i32
        scf.condition(%ne3A) %while3A_16, %while3A_17 : i32, i32
      } do {
      ^bb0(%while3A_16: i32, %while3A_17: i32):
        %scan3A_18 = arith.constant 0 : i32
        %scan3A_19 = arith.constant 0 : i32
        %scan3A_20 = arith.constant 625 : i32
        %scan3A_21 = arith.addi %scan3A_19, %scan3A_20 : i32
        %scan3A_22 = arith.constant 1 : i32
        scf.for %scan3A_33 = %scan3A_19 to %scan3A_21 step %scan3A_22  : i32 {
          %mul3A = arith.constant 16 : i32
          %mul3A_34 = arith.muli %scan3A_33, %mul3A : i32
          %get3A = arith.index_cast %mul3A_34 : i32 to index
          %get3A_35 = tpu.vector_load %arg7[%get3A] {strides = array<i32>} : memref<10000xi32, #tpu.memory_space<vmem>>, vector<16xi32>,
          %ne3A = arith.cmpi ne, %get3A_35, %broadcast_in_dim3A_4 : vector<16xi32>
          %mul3A_36 = arith.constant 16 : i32
          %mul3A_37 = arith.muli %scan3A_33, %mul3A_36 : i32
          %get3A_38 = arith.index_cast %mul3A_37 : i32 to index
          %get3A_39 = tpu.vector_load %arg5[%get3A_38] {strides = array<i32>} : memref<10000xi32, #tpu.memory_space<vmem>>, vector<16xi32>,
          %mul3A_40 = arith.constant 16 : i32
          %mul3A_41 = arith.muli %scan3A_33, %mul3A_40 : i32
          %get3A_42 = arith.index_cast %mul3A_41 : i32 to index
          %get3A_43 = tpu.vector_load %arg6[%get3A_42] {strides = array<i32>} : memref<10000xi32, #tpu.memory_space<vmem>>, vector<16xi32>,
          %ge3A = arith.cmpi sge, %get3A_39, %broadcast_in_dim3A_4 : vector<16xi32>
          %and3A_44 = arith.andi %ne3A, %ge3A : vector<16xi1>
          tpu.vector_store_idx %arg7[%get3A_39], %broadcast_in_dim3A_6 masked %and3A_44 : memref<10000xi32, #tpu.memory_space<vmem>>[vector<16xi32>], vector<16xi32>, vector<16xi1>
          %ge3A_45 = arith.cmpi sge, %get3A_43, %broadcast_in_dim3A_4 : vector<16xi32>
          %and3A_46 = arith.andi %ne3A, %ge3A_45 : vector<16xi1>
          tpu.vector_store_idx %arg7[%get3A_43], %broadcast_in_dim3A_6 masked %and3A_46 : memref<10000xi32, #tpu.memory_space<vmem>>[vector<16xi32>], vector<16xi32>, vector<16xi1>
        }
        %scan3A_23 = arith.constant 625 : i32
        %scan3A_24 = arith.constant 0 : i32
        %scan3A_25 = arith.constant 625 : i32
        %scan3A_26 = arith.addi %scan3A_24, %scan3A_25 : i32
        %scan3A_27 = arith.constant 1 : i32
        %scan3A_28 = scf.for %scan3A_33 = %scan3A_24 to %scan3A_26 step %scan3A_27 iter_args(%scan3A_34 = %broadcast_in_dim3A_4) -> (vector<16xi32>)  : i32 {
          %mul3A = arith.constant 16 : i32
          %mul3A_35 = arith.muli %scan3A_33, %mul3A : i32
          %get3A = arith.index_cast %mul3A_35 : i32 to index
          %get3A_36 = tpu.vector_load %arg7[%get3A] {strides = array<i32>} : memref<10000xi32, #tpu.memory_space<vmem>>, vector<16xi32>,
          %add3A = arith.addi %scan3A_34, %get3A_36 : vector<16xi32>
          scf.yield %add3A : vector<16xi32>
        }
        %scan3A_29 = arith.constant 625 : i32
        %reduce_sum3A = arith.constant true
        %reduce_sum3A_30 = vector.broadcast %reduce_sum3A : i1 to vector<16xi1>
        %reduce_sum3A_31 = tpu.scan <sum>, %scan3A_28 masked %reduce_sum3A_30 : vector<16xi32>, vector<16xi1> -> vector<16xi32>
        %reduce_sum3A_32 = vector.extract %reduce_sum3A_31[15] : i32 from vector<16xi32>
        scf.yield %while3A_17, %reduce_sum3A_32 : i32, i32
      }
      "tpu.region"() ({
        %run_scoped3A = tpu.sem_alloc : memref<!tpu.dma_semaphore, #tpu.memory_space<semaphore_mem>>
        tpu.enqueue_dma source(%arg7 : memref<10000xi32, #tpu.memory_space<vmem>>) target(%arg4 : memref<10000xi32, #tpu.memory_space<hbm>>) target_semaphore(%run_scoped3A : memref<!tpu.dma_semaphore, #tpu.memory_space<semaphore_mem>>)
        tpu.wait_dma2 semaphore(%run_scoped3A : memref<!tpu.dma_semaphore, #tpu.memory_space<semaphore_mem>>) src(%arg7 : memref<10000xi32, #tpu.memory_space<vmem>>) dst(%arg4 : memref<10000xi32, #tpu.memory_space<hbm>>)
        tpu.yield
      }) : () -> ()
    } else {
    }
    return
  }
}

</mosaic_0001>

<sc_bundles>
// kernel: _reach.3.cloned.1.call-start
scs
__scs_entry_jumppad:
0x0: {  	(pc) =	sbr.rel $0x88, $3  }
0x1: {  	(tag) =	ssettag $0x0;
	lr =	simm.s32 $0x1  }
0x2: {  	[smem:$0x3F9F] =	sst lr;
	_ =	strace $0xD0000000  }
0x3: {  	_ = 	snop  }
0x4: {  	_ = 	snop  }
0x5: {  	_ = 	snop  }
0x6: {  	_ = 	snop  }
0x7: {  	_ = 	snop  }
__scs_overlays_trampoline_lowered:
0x8: {  	[smem:$0x3FAE] =	sst s0  }
0x9: {  	[smem:$0x3FAF] =	sst s1  }
0xa: {  	[smem:$0x3FB0] =	sst s2  }
0xb: {  	[smem:$0x3FB1] =	sst s3  }
0xc: {  	[smem:$0x3FB2] =	sst s4  }
0xd: {  	[smem:$0x3FB3] =	sst s5  }
0xe: {  	[smem:$0x3FB4] =	sst s6  }
0xf: {  	[smem:$0x3FB5] =	sst s7  }
0x10: {  	[smem:$0x3FB6] =	sst s8  }
0x11: {  	[smem:$0x3FB7] =	sst s9;
	s0 =	simm.s32 @!p0 $0x0  }
0x12: {  	s1 =	sld [smem:$0x3F9D];
	s0 =	simm.s32 @p0 $0x1  }
0x13: {  	[smem:$0x3FB8] =	sst s0;
	s0 =	simm.s32 @!p1 $0x0  }
0x14: {  	s2 =	sld [smem:$0x3F9C];
	s0 =	simm.s32 @p1 $0x1  }
0x15: {  	[smem:$0x3FB9] =	sst s0;
	s0 =	simm.s32 @!p2 $0x0  }
0x16: {  	s3 =	sld [smem:$0x3FDB];
	s0 =	simm.s32 @p2 $0x1  }
0x17: {  	s4 =	simm.s32 $0x1BF5;
	[smem:$0x3FBB] =	sst s0  }
0x18: {  	s0 =	sld [smem:$0x3F9E];
	_ =	swait.ge [sflag:s4], $0x0  }
0x19: {  	s7 =	sld [smem:$0x3F9F]  }
0x1a: {  	s8 =	sadd.s32 $0xFFFFE003, lr  }
0x1b: {  	s9 =	sadd.s32 $0xFFFFFEF7, lr;
	s5 =	simm.s32 $0xFFFFFFFF;
	p2 =	slt.u32 s8, $0xFFFFF086  }
0x1c: {  	p1 =	slt.u32 s9, $0xF7A;
	s5 =	simm.s32 @!p2 $0x0  }
0x1d: {  	s5 =	simm.s32 @p1 $0x1;
	p0 =	seq.s32 s7, s2  }
0x1e: {  	s7 =	smul.u32 @!p0 $0xF7A, s2;
	p2 =	seq.s32 @!p0 s5, $0x0  }
0x1f: {  	s9 =	smul.u32 $0xF7A, s1;
	s8 =	simm.s32 @!p0 $0x1BF5;
	p2 =	por !p2, p0  }
0x20: {  	[sflag:s8] =	ssyncset.s32 @!p0 $0xFFFFF086;
	s6 =	sadd.s32 @!p0 s3, s7;
	s7 =	simm.s32 @!p0 $0x108  }
0x21: {  	s3 =	sadd.s32 s3, s9;
	s6 =	sadd.s32 @!p0 $0x88, s6;
	s7 =	simm.s32 @p2 $0x1082  }
0x22: {  	[simem:s7], [sflag:s8] =	dma.local @!p0 [hbm:s6], $0xF7A  }
0x23: {  	s9 =	sor.u32 $0xD0000000, s2;
	s6 =	simm.s32 $0x108;
	_ =	swait.ge @!p0 [sflag:s8], $0x0  }
0x24: {  	s3 =	sadd.s32 $0x88, s3;
	s6 =	simm.s32 @!p1 $0x1082;
	[sflag:s4] =	ssyncset.s32 $0xFFFFF086  }
0x25: {  	[simem:s6], [sflag:s4] =	dma.local [hbm:s3], $0xF7A  }
0x26: {  	[smem:$0x3F9F] =	sst s1;
	(tag) =	ssettag s2;
	_ =	strace s9  }
0x27: {  	s1 =	sld [smem:$0x3FAF]  }
0x28: {  	s2 =	sld [smem:$0x3FB0]  }
0x29: {  	s4 =	sld [smem:$0x3FB2]  }
0x2a: {  	p0 =	seq.s32 s5, $0x0;
	s5 =	sld [smem:$0x3FB3]  }
0x2b: {  	s6 =	sld [smem:$0x3FB4]  }
0x2c: {  	s7 =	sld [smem:$0x3FB5]  }
0x2d: {  	s3 =	simm.s32 $0x108;
	s8 =	sld [smem:$0x3FB6]  }
0x2e: {  	s3 =	simm.s32 @!p0 $0x1082;
	s9 =	sld [smem:$0x3FB7]  }
0x2f: {  	lr =	sadd.s32 s0, s3;
	s0 =	sld [smem:$0x3FAE]  }
0x30: {  	s3 =	sld [smem:$0x3FB1]  }
0x31: {  	[smem:$0x3FBA] =	sst s10  }
0x32: {  	s10 =	sld [smem:$0x3FB8];
	_ =	sdelay $0x3  }
0x33: {  	p0 =	seq.s32 s10, $0x1;
	s10 =	sld [smem:$0x3FBA];
	_ =	sdelay $0x3  }
0x34: {  	[smem:$0x3FBA] =	sst s10  }
0x35: {  	s10 =	sld [smem:$0x3FB9];
	_ =	sdelay $0x3  }
0x36: {  	p1 =	seq.s32 s10, $0x1;
	s10 =	sld [smem:$0x3FBA];
	_ =	sdelay $0x3  }
0x37: {  	[smem:$0x3FBA] =	sst s10  }
0x38: {  	s10 =	sld [smem:$0x3FBB]  }
0x39: {  	_ = 	snop;
	(pc) =	sbr.ind lr, $3  }
0x3a: {  	_ = 	snop  }
0x3b: {  	_ = 	snop  }
0x3c: {  	p2 =	seq.s32 s10, $0x1;
	s10 =	sld [smem:$0x3FBA]  }
0x3d: {  	_ =	shalt  }
0x3e: {  	_ =	shalt  }
0x3f: {  	_ =	shalt  }
0x40: {  	_ =	shalt  }
0x41: {  	_ =	shalt  }
0x42: {  	_ =	shalt  }
0x43: {  	_ =	shalt  }
0x44: {  	_ =	shalt  }
0x45: {  	_ =	shalt  }
0x46: {  	_ =	shalt  }
0x47: {  	_ =	shalt  }
0x48: {  	_ =	shalt  }
0x49: {  	_ =	shalt  }
0x4a: {  	_ =	shalt  }
0x4b: {  	_ =	shalt  }
0x4c: {  	_ =	shalt  }
0x4d: {  	_ =	shalt  }
0x4e: {  	_ =	shalt  }
0x4f: {  	_ =	shalt  }
0x50: {  	_ =	shalt  }
0x51: {  	_ =	shalt  }
0x52: {  	_ =	shalt  }
0x53: {  	_ =	shalt  }
0x54: {  	_ =	shalt  }
0x55: {  	_ =	shalt  }
0x56: {  	_ =	shalt  }
0x57: {  	_ =	shalt  }
0x58: {  	_ =	shalt  }
0x59: {  	_ =	shalt  }
0x5a: {  	_ =	shalt  }
0x5b: {  	_ =	shalt  }
0x5c: {  	_ =	shalt  }
0x5d: {  	_ =	shalt  }
0x5e: {  	_ =	shalt  }
0x5f: {  	_ =	shalt  }
0x60: {  	_ =	shalt  }
0x61: {  	_ =	shalt  }
0x62: {  	_ =	shalt  }
0x63: {  	_ =	shalt  }
0x64: {  	_ =	shalt  }
0x65: {  	_ =	shalt  }
0x66: {  	_ =	shalt  }
0x67: {  	_ =	shalt  }
0x68: {  	_ =	shalt  }
0x69: {  	_ =	shalt  }
0x6a: {  	_ =	shalt  }
0x6b: {  	_ =	shalt  }
0x6c: {  	_ =	shalt  }
0x6d: {  	_ =	shalt  }
0x6e: {  	_ =	shalt  }
0x6f: {  	_ =	shalt  }
0x70: {  	_ =	shalt  }
0x71: {  	_ =	shalt  }
0x72: {  	_ =	shalt  }
0x73: {  	_ =	shalt  }
0x74: {  	_ =	shalt  }
0x75: {  	_ =	shalt  }
0x76: {  	_ =	shalt  }
0x77: {  	_ =	shalt  }
0x78: {  	_ =	shalt  }
0x79: {  	_ =	shalt  }
0x7a: {  	_ =	shalt  }
0x7b: {  	_ =	shalt  }
0x7c: {  	_ =	shalt  }
0x7d: {  	_ =	shalt  }
0x7e: {  	_ =	shalt  }
0x7f: {  	_ =	shalt  }
0x80: {  	_ =	shalt  }
0x81: {  	_ =	shalt  }
0x82: {  	_ =	shalt  }
0x83: {  	_ =	shalt  }
0x84: {  	_ =	shalt  }
0x85: {  	_ =	shalt  }
0x86: {  	_ =	shalt  }
0x87: {  	_ =	shalt  }
.Lfunc_end0:
.L_simem_size_0:
called_computation_lowered:
.L_overlay_start_0:
0x88: {  	s2 =	sld [smem:$0x3FD9]  }
0x89: {  	s3 =	sld [smem:$0x3FFE];
	_ =	sdelay $0x1  }
0x8a: {  	s1 =	srdreg.scid  }
0x8b: {  	s0 =	sand.u32 $0x1, s1  }
0x8c: {  	s18 =	sshll.u32 s0, $0xA;
	s2 =	sadd.s32 s3, s2  }
0x8d: {  	s2 =	sadd.s32 s2, s18  }
0x8e: {  	[smem:$0x3FC6] =	sst s2  }
0x8f: {  	_ = 	snop  }
0x90: {  	s2 =	sld [smem:$0x3FC9]  }
0x91: {  	s19 =	sld [smem:$0x3FC8]  }
0x92: {  	s4 =	sld [smem:$0x3FD0];
	(tm) =	ssettm $0x1  }
0x93: {  	s5 =	sld [smem:$0x3FFB];
	_ =	sdelay $0x3  }
0x94: {  	_ =	strace s5  }
0x95: {  	s5 =	sld [smem:$0x3FFC];
	_ =	sdelay $0x3  }
0x96: {  	_ =	strace s5  }
0x97: {  	s5 =	sld [smem:$0x3FFD];
	_ =	sdelay $0x3  }
0x98: {  	_ =	strace s5  }
0x99: {  	_ =	strace $0x8FFFFFFF  }
0x9a: {  	s20 =	sld [smem:$0x3FDB];
	_ =	sdelay $0x1  }
0x9b: {  	s6 =	simm.s32 $_scs_section_size  }
0x9c: {  	s7 =	simm.s32 $_size__tile_overlayer_lowered;
	s8 =	simm.s32 $_tile_overlayer_lowered  }
0x9d: {  	s23 =	simm.s32 $0x1BFF;
	s22 =	sshll.u32 s8, $0x1;
	s5 =	sadd.s32 s6, s20  }
0x9e: {  	s9 =	simm.s32 $0x0;
	s21 =	sshll.u32 s7, $0x1;
	s7 =	sadd.s32 s22, s5  }
0x9f: {  	[timem:s9], [sflag:s23] =	dma.local [hbm:s7], s21  }
0xa0: {  	_ =	swait.ge [sflag:s23], s21  }
0xa1: {  	s6 =	ssub.s32 $0x0, s21;
	[sflag:s23] =	ssyncset.done $0x0  }
0xa2: {  	[sflag:s23] =	ssyncadd.s32 s6;
	_ =	sdelay $0x1  }
0xa3: {  	s24 =	simm.s32 $0x1B8B  }
0xa4: {  	_ =	swait.ge [sflag:s24], $0x1  }
0xa5: {  	[sflag:s24] =	ssyncset.done $0x0  }
0xa6: {  	s25 =	simm.s32 $0x1B8E;
	[sflag:s24] =	ssyncadd.s32 $0xFFFFFFFF  }
0xa7: {  	s26 =	simm.s32 $execute0_lowered;
	[smem:$0x3FD2] =	sst s25  }
0xa8: {  	s6 =	sshll.u32 s26, $0x1;
	_ =	strace $0x80000046;
	[dreg:$0x1] =	wrdreg $0xFFFFFFFF  }
0xa9: {  	s28 =	simm.s32 $_size_execute0_lowered;
	s5 =	sadd.s32 s5, s6;
	[dreg:$0x0] =	wrdreg $0x0  }
0xaa: {  	s6 =	sshll.u32 s28, $0x1;
	[dreg:$0x2] =	wrdreg s5  }
0xab: {  	[dreg:$0x3] =	wrdreg s6  }
0xac: {  	[dreg:$0x4] =	wrdreg $0xC0  }
0xad: {  	_ =	task [dreg:s9], $0x5FFFF  }
0xae: {  	[dreg:$0x1] =	wrdreg $0xFFFFFFFF  }
0xaf: {  	[dreg:$0x0] =	wrdreg $0x60  }
0xb0: {  	[dreg:$0x2] =	wrdreg s2  }
0xb1: {  	[dreg:$0x3] =	wrdreg s19  }
0xb2: {  	[dreg:$0x4] =	wrdreg s4  }
0xb3: {  	[dreg:$0x5] =	wrdreg $0x9  }
0xb4: {  	_ =	task.clear_ibuf [dreg:s9], $0x6FFFF;
	_ =	strace $0x90000046  }
0xb5: {  	s29 =	simm.s32 $0x9;
	_ =	strace $0x80000048  }
0xb6: {  	_ =	swait.ge [sflag:s29], $0x1  }
0xb7: {  	[sflag:s29] =	ssyncadd.s32 $0xFFFFFFFF  }
0xb8: {  	_ =	strace $0x90000048  }
0xb9: {  	_ =	sfence  }
0xba: {  	s30 =	sld [smem:$0x0];
	_ =	sdelay $0x2  }
0xbb: {  	s31 =	sshll.u32 s1, $0xD;
	s1 =	sshrl.u32 s1, $0x2  }
0xbc: {  	s3 =	sand.u32 $0x4000, s31;
	s1 =	sadd.s32 s1, s30  }
0xbd: {  	s0 =	sor.u32 s3, s0;
	s1 =	sshll.u32 s1, $0x11  }
0xbe: {  	s0 =	sor.u32 s1, s0  }
0xbf: {  	s0 =	sadd.s32 $0x8F2B, s0  }
0xc0: {  	[sflag:s0] =	ssyncadd.remote.s32 $0x1  }
0xc1: {  	_ =	sfence.sel $0xFFFF  }
0xc2: {  	[dreg:$0x0] =	wrdreg $0xFFFFFFFF;
	(pc) =	sbr.abs _section_cstart, $3  }
0xc3: {  	[dreg:$0x1] =	wrdreg $0xFFFFFFFF  }
0xc4: {  	_ =	task.clear_ibuf [dreg:s9], $0x2FFFF;
	_ =	strace $0x9FFFFFFF  }
0xc5: {  	(tm) =	ssettm $0x7FFFFFFF  }
tec
execute0_lowered:
.L_overlay_start_1:
0x0: {  	(tag) =	ssettag $0x1  }
0x1: {  	s0 =	srdreg.scid  }
0x2: {  	s5 =	sand.u32 $0x1, s0;
	s0 =	stileid.u32  }
0x3: {  	s6 =	sor.u32 s0, s5  }
0x4: {  	p0 =	sne.s32 s6, $0x0  }
.Ltmp0:
0x5: {  	_ = 	snop;
	(pc) =	sbr.rel @p0 .LBB2_11-.Ltmp0, $4  }
0x6: {  	s1 =	rddreg [dreg:$0x0]  }
0x7: {  	s3 =	rddreg [dreg:$0x1]  }
0x8: {  	s4 =	rddreg [dreg:$0x2]  }
0x9: {  	s2 =	rddreg [dreg:$0x3];
	_ =	strace $0x80000047  }
0xa: {  	s5 =	ssub.s32 $0x2, s5;
	s7 =	simm.s32 $0x1  }
0xb: {  	v0 =	vimm.s32 $0x0;
	vm0 =	vcmask $0x300;
	s8 =	simm.s32 $0x2780;
	s9 =	simm.s32 $0x4F00;
	s6 =	sshrl.u32 s5, $0x1  }
0xc: {  	v2 =	vimm.s32 $0x1;
	s10 =	simm.s32 $0x0;
	v1 =	vsel vm0, $0x1, v0;
	s5 =	ssub.s32 s5, s6;
	s6 =	simm.s32 $0x0  }
.LBB2_2:
0xd: {  	[tilespmem:s6], [sflag:$0x1] =	stream.linear.gather [hbm4b:s1+s6], $0x2780, $0x38;
	[tilespmem:$0x7680] =	vst v63  }
0xe: {  	_ =	swait.ge [sflag:s7], $0x2780  }
0xf: {  	[sflag:s7] =	ssyncset.done $0x0  }
0x10: {  	[sflag:s7] =	ssyncadd.s32 $0xFFFFD880  }
0x11: {  	[tilespmem:s8], [sflag:$0x1] =	stream.linear.gather [hbm4b:s3+s6], $0x2780, $0x38;
	[tilespmem:$0x7680] =	vst v63  }
0x12: {  	_ =	swait.ge [sflag:s7], $0x2780  }
0x13: {  	[sflag:s7] =	ssyncset.done $0x0  }
0x14: {  	s11 =	simm.s32 $0x40;
	s12 =	simm.s32 $0x0;
	[sflag:s7] =	ssyncadd.s32 $0xFFFFD880  }
.LBB2_3:
0x15: {  	p0 =	sne.s32 s11, $0x9C00;
	[tilespmem:s12+$0x4F00] =	vst v0;
	s12 =	smov.u32 s11;
	s11 =	sadd.s32 $0x40, s11  }
.Ltmp1:
0x16: {  	(pc) =	sbr.rel @p0 .LBB2_3-.Ltmp1, $2  }
0x17: {  	_ =	sdelay $0x2  }
0x18: {  	s12 =	sshra.s32 s12, $0x2  }
0x19: {  	[tilespmem:s12+$0x4F00] =	vst v0  }
0x1a: {  	s11 =	simm.s32 $0x1;
	[tilespmem:$0x4F00] =	vst v1  }
.LBB2_5:
0x1b: {  	s12 =	simm.s32 $0x0  }
.LBB2_6:
0x1c: {  	s13 =	sshra.s32 s12, $0x2  }
0x1d: {  	v3 =	vld [tilespmem:s13+$0x4F00]  }
0x1e: {  	v4 =	vld [tilespmem:s13+$0x0]  }
0x1f: {  	v5 =	vld [tilespmem:s13+$0x2780];
	_ =	sdelay $0x3  }
0x20: {  	vm0 =	vne.s32 v3, $0x0;
	vm1 =	vgt.s32 v4, $0xFFFFFFFF  }
0x21: {  	vm2 =	vgt.s32 v5, $0xFFFFFFFF;
	vm1 =	vmand vm0, vm1  }
0x22: {  	vm0 =	vmand vm0, vm2  }
0x23: {  	p0 =	sne.s32 s12, $0x9C00  }
.Ltmp2:
0x24: {  	_ = 	snop;
	(pc) =	sbr.rel @p0 .LBB2_6-.Ltmp2, $3  }
0x25: {  	_ =	sdelay $0x1  }
0x26: {  	[tilespmem:v4+s9+$0x0] =	vst.idx.msk vm1, v2  }
0x27: {  	s12 =	sadd.s32 $0x40, s12;
	[tilespmem:v5+s9+$0x0] =	vst.idx.msk vm0, v2  }
0x28: {  	s13 =	simm.s32 $0x0  }
0x29: {  	v3 =	vimm.s32 $0x0;
	s12 =	simm.s32 $0x40;
	v4 =	vld [tilespmem:s13+$0x4F00]  }
.LBB2_8:
0x2a: {  	p0 =	sne.s32 s12, $0x9C00  }
.Ltmp3:
0x2b: {  	_ = 	snop;
	(pc) =	sbr.rel @p0 .LBB2_8-.Ltmp3, $3  }
0x2c: {  	_ =	sdelay $0x1  }
0x2d: {  	s13 =	sshra.s32 s12, $0x2;
	s12 =	sadd.s32 $0x40, s12;
	v3 =	vadd.s32 v3, v4  }
0x2e: {  	v4 =	vld [tilespmem:s13+$0x4F00]  }
0x2f: {  	_ =	sdelay $0x3  }
0x30: {  	v3 =	vadd.s32 v3, v4  }
0x31: {  	(xrf0) =	vadd.scan.msk.s32 $0xffff, v3;
	_ =	sdelay $0x5  }
0x32: {  	v3, _, _ =	vpop (xrf0)  }
0x33: {  	(v2sf) =	vpush v3, $0xF;
	_ =	sdelay $0xe  }
0x34: {  	s12 =	spop (v2sf)  }
0x35: {  	p0 =	sne.s32 s11, s12  }
.Ltmp4:
0x36: {  	_ = 	snop;
	(pc) =	sbr.rel @p0 .LBB2_5-.Ltmp4, $2  }
0x37: {  	_ =	sdelay $0x2  }
0x38: {  	s11 =	smov.u32 s12  }
0x39: {  	s10 =	sadd.s32 $0x1, s10  }
0x3a: {  	p0 =	sne.s32 s10, s5  }
.Ltmp5:
0x3b: {  	_ = 	snop;
	(pc) =	sbr.rel @p0 .LBB2_2-.Ltmp5, $4  }
0x3c: {  	[hbm4b:s4+s6] =	stream.linear.scatter [tilespmem:s9], [sflag:$0x1], $0x2780, $0x38;
	[tilespmem:$0x7680] =	vst v63  }
0x3d: {  	_ =	swait.ge [sflag:s7], $0x2780  }
0x3e: {  	[sflag:s7] =	ssyncset.done $0x0  }
0x3f: {  	[sflag:s7] =	ssyncadd.s32 $0xFFFFD880  }
.LBB2_11:
0x40: {  	_ =	sfence.sel $0x180000  }
0x41: {  	[bflag:$0x0] =	sbarrier.arrive $0xFFFF  }
0x42: {  	p0 =	sne.s32 s0, $0x0;
	_ =	strace $0x90000047  }
0x43: {  	s0 =	sadd.s32 @!p0 $0x100000, s2;
	[bflag:$0x2] =	sbarrier.arrive $0xFFFF  }
0x44: {  	[sflag:s0] =	ssyncadd.tile.s32 @!p0 $0x1;
	_ =	shalt  }
.Lfunc_end2:
_tile_overlayer_lowered:
.L_overlay_start_2:
0x45: {  	(tag) =	ssettag $0x2  }
0x46: {  	s0 =	rddreg [dreg:$0x0];
	s2 =	stileid.u32  }
0x47: {  	s1 =	rddreg [dreg:$0x1];
	p0 =	sne.s32 s2, $0x0  }
0x48: {  	s3 =	rddreg [dreg:$0x2];
	[bflag:$0x3] =	sbarrier.arrive $0xFFFF;
	s2 =	simm.s32 @!p0 $0x1C01  }
0x49: {  	[timem:s3], [sflag:s2] =	dma.local @!p0 [hbm:s0], s1  }
0x4a: {  	s0 =	simm.s32 @!p0 $0x1  }
0x4b: {  	_ =	swait.ge @!p0 [sflag:s0], s1  }
0x4c: {  	s1 =	ssub.s32 @!p0 $0x0, s1;
	[sflag:s0] =	ssyncset.done @!p0 $0x0  }
0x4d: {  	[sflag:s0] =	ssyncadd.s32 @!p0 s1  }
0x4e: {  	[bflag:$0x3] =	sbarrier.arrive $0xFFFF  }
0x4f: {  	_ =	shalt  }

</sc_bundles>
